<compile_context>
chip_gen: v7x
topology: tpu7x:2x2x1
jax: 0.10.2.dev20260603
libtpu: 0.0.44.dev20260713+nightly
codegen_flags: <defaults>
</compile_context>

<pallas_src>
import functools

import jax
import jax.numpy as jnp
from jax import lax
from jax.experimental import pallas as pl
from jax.experimental.pallas import tpu as pltpu
from jax.experimental.pallas import tpu_sc as plsc

_ROWS = 64
_DIM = 128
_BATCH = 16384
_NC, _NS = 2, 16
_NW = _NC * _NS
_BPW = _BATCH // _NW
_CHUNK = 128
_NCHUNK = _BPW // _CHUNK


def _normalize_body(tab_ref, out_ref):
    t = tab_ref[...]
    ssq = jnp.sum(t * t, axis=1, keepdims=True)
    out_ref[...] = t * lax.rsqrt(jnp.maximum(ssq, 1e-24))


_normalize = pl.pallas_call(
    _normalize_body,
    out_shape=jax.ShapeDtypeStruct((_ROWS, _DIM), jnp.float32),
)

_mesh = plsc.VectorSubcoreMesh(
    core_axis_name="c", subcore_axis_name="s", num_cores=_NC, num_subcores=_NS
)


@functools.partial(
    pl.kernel,
    out_type=jax.ShapeDtypeStruct((_BATCH, _DIM), jnp.float32),
    mesh=_mesh,
    scratch_types=[
        pltpu.VMEM((_NCHUNK, _CHUNK), jnp.int32),
        pltpu.VMEM((_NCHUNK, _CHUNK, _DIM), jnp.float32),
        pltpu.VMEM_SHARED((_ROWS, _DIM), jnp.float32),
        pltpu.SemaphoreType.DMA,
        pltpu.SemaphoreType.DMA,
        [pltpu.SemaphoreType.DMA] * _NCHUNK,
        pltpu.SemaphoreType.DMA,
    ],
)
def _gather(ntab_hbm, idx_hbm, out_hbm, idx_v, rows_v, stab, isem, tsem,
            gsems, ssem):
    sid = lax.axis_index("s")
    wid = sid * _NC + lax.axis_index("c")
    base = wid * _BPW

    _RPT = _ROWS // _NS
    icp = pltpu.async_copy(idx_hbm.at[wid], idx_v, isem)
    tcp = pltpu.async_copy(
        ntab_hbm.at[pl.ds(sid * _RPT, _RPT)],
        stab.at[pl.ds(sid * _RPT, _RPT)],
        tsem,
    )
    tcp.wait()
    plsc.subcore_barrier()
    icp.wait()

    gcps = [
        pltpu.async_copy(stab.at[idx_v.at[g]], rows_v.at[g], gsems[g])
        for g in range(_NCHUNK)
    ]
    scps = []
    for g in range(_NCHUNK):
        gcps[g].wait()
        scps.append(
            pltpu.async_copy(
                rows_v.at[g], out_hbm.at[pl.ds(base + g * _CHUNK, _CHUNK)], ssem
            )
        )
    for c in scps:
        c.wait()


def kernel(indices, table):
    ntab = _normalize(table)
    idx3 = indices.astype(jnp.int32).reshape(_NW, _NCHUNK, _CHUNK)
    return _gather(ntab, idx3)

# --- scband reference (transcript-rebuilt; emitter-appended) ---
"""Pipeline reference for scband-codebook-65627100283227 (READ-ONLY COPY).

The authoritative reference and input builder live on the scoring server;
editing this copy changes nothing except your own understanding.
"""

import jax, jax.numpy as jnp
import numpy as np

NUM_GROUPS = 64
EMBED_DIM = 128
BATCH = 16384

def setup_inputs(seed: int = 0) -> dict:
    key = jax.random.key(seed)
    k1, k2 = jax.random.split(key)
    indices = jax.random.randint(k1, (BATCH,), 0, NUM_GROUPS)
    # xavier_uniform init for the embedding table, matching nn.init.xavier_uniform_
    limit = float(np.sqrt(6.0 / (NUM_GROUPS + EMBED_DIM)))
    table = jax.random.uniform(k2, (NUM_GROUPS, EMBED_DIM), minval=-limit, maxval=limit, dtype=jnp.float32)
    return {"indices": indices, "table": table}

def reference(indices, table):
    # nn.Embedding lookup
    raw_embeddings = jnp.take(table, indices, axis=0)
    # F.normalize(raw_embeddings, p=2, dim=1) with eps=1e-12 denominator clamp
    norm = jnp.linalg.norm(raw_embeddings, ord=2, axis=1, keepdims=True)
    return raw_embeddings / jnp.maximum(norm, 1e-12)

if __name__ == "__main__":
    import jax
    _d = setup_inputs()
    print(jax.jit(kernel)(*tuple(_d.values())))

</pallas_src>

<mosaic_0001>
#map = affine_map<(d0, d1) -> (0, 0)>
#map1 = affine_map<(d0, d1) -> (0, 0, 0)>
module attributes {stable_mosaic.version = 14 : i64} {
  func.func @_gather(%arg0: i32, %arg1: i32, %arg2: memref<64x128xf32, #tpu.memory_space<hbm>>, %arg3: memref<32x4x128xi32, #tpu.memory_space<hbm>>, %arg4: memref<16384x128xf32, #tpu.memory_space<hbm>>, %arg5: memref<4x128xi32, #tpu.memory_space<vmem>>, %arg6: memref<4x128x128xf32, #tpu.memory_space<vmem>>, %arg7: memref<64x128xf32, #tpu.memory_space<vmem_shared>>, %arg8: memref<!tpu.dma_semaphore, #tpu.memory_space<semaphore_mem>>, %arg9: memref<!tpu.dma_semaphore, #tpu.memory_space<semaphore_mem>>, %arg10: memref<!tpu.dma_semaphore, #tpu.memory_space<semaphore_mem>>, %arg11: memref<!tpu.dma_semaphore, #tpu.memory_space<semaphore_mem>>, %arg12: memref<!tpu.dma_semaphore, #tpu.memory_space<semaphore_mem>>, %arg13: memref<!tpu.dma_semaphore, #tpu.memory_space<semaphore_mem>>, %arg14: memref<!tpu.dma_semaphore, #tpu.memory_space<semaphore_mem>>) attributes {dimension_semantics = [#tpu.dimension_semantics<core_parallel>, #tpu.dimension_semantics<subcore_parallel>], iteration_bounds = array<i64: 2, 16>, scalar_prefetch = 0 : i64, scratch_operands = 10 : i64, tpu.core_type = #tpu.core_type<sc_vector_subcore>, window_params = [{transform_indices = #map}, {transform_indices = #map1}, {transform_indices = #map}]} {
    %mul3A = arith.constant 2 : i32
    %mul3A_0 = arith.muli %arg1, %mul3A : i32
    %add3A = arith.addi %mul3A_0, %arg0 : i32
    %mul3A_1 = arith.constant 512 : i32
    %mul3A_2 = arith.muli %add3A, %mul3A_1 : i32
    %dma_start3A = arith.constant 0 : i32
    %dma_start3A_3 = arith.constant 0 : i32
    %dma_start3A_4 = tpu.memref_slice %arg3[%add3A, %dma_start3A, %dma_start3A_3] : memref<32x4x128xi32, #tpu.memory_space<hbm>> -> memref<1x4x128xi32, #tpu.memory_space<hbm>>
    %dma_start3A_5 = tpu.memref_squeeze %dma_start3A_4 : memref<1x4x128xi32, #tpu.memory_space<hbm>> -> memref<4x128xi32, #tpu.memory_space<hbm>>
    %dma_start3A_6 = arith.constant 0 : i32
    %dma_start3A_7 = arith.constant 0 : i32
    %dma_start3A_8 = tpu.memref_slice %arg3[%add3A, %dma_start3A_6, %dma_start3A_7] : memref<32x4x128xi32, #tpu.memory_space<hbm>> -> memref<1x4x128xi32, #tpu.memory_space<hbm>>
    %dma_start3A_9 = tpu.memref_squeeze %dma_start3A_8 : memref<1x4x128xi32, #tpu.memory_space<hbm>> -> memref<4x128xi32, #tpu.memory_space<hbm>>
    tpu.enqueue_dma source(%dma_start3A_9 : memref<4x128xi32, #tpu.memory_space<hbm>>) target(%arg5 : memref<4x128xi32, #tpu.memory_space<vmem>>) target_semaphore(%arg8 : memref<!tpu.dma_semaphore, #tpu.memory_space<semaphore_mem>>)
    %mul3A_10 = arith.constant 4 : i32
    %mul3A_11 = arith.muli %arg1, %mul3A_10 : i32
    %mul3A_12 = arith.constant 4 : i32
    %mul3A_13 = arith.muli %arg1, %mul3A_12 : i32
    %dma_start3A_14 = arith.constant 0 : i32
    %dma_start3A_15 = tpu.memref_slice %arg7[%mul3A_13, %dma_start3A_14] : memref<64x128xf32, #tpu.memory_space<vmem_shared>> -> memref<4x128xf32, #tpu.memory_space<vmem_shared>>
    %dma_start3A_16 = arith.constant 0 : i32
    %dma_start3A_17 = tpu.memref_slice %arg2[%mul3A_11, %dma_start3A_16] : memref<64x128xf32, #tpu.memory_space<hbm>> -> memref<4x128xf32, #tpu.memory_space<hbm>>
    tpu.enqueue_dma source(%dma_start3A_17 : memref<4x128xf32, #tpu.memory_space<hbm>>) target(%dma_start3A_15 : memref<4x128xf32, #tpu.memory_space<vmem_shared>>) target_semaphore(%arg9 : memref<!tpu.dma_semaphore, #tpu.memory_space<semaphore_mem>>)
    %dma_wait3A = arith.constant 0 : i32
    %dma_wait3A_18 = tpu.memref_slice %arg7[%mul3A_13, %dma_wait3A] : memref<64x128xf32, #tpu.memory_space<vmem_shared>> -> memref<4x128xf32, #tpu.memory_space<vmem_shared>>
    %dma_wait3A_19 = arith.constant 0 : i32
    %dma_wait3A_20 = tpu.memref_slice %arg2[%mul3A_11, %dma_wait3A_19] : memref<64x128xf32, #tpu.memory_space<hbm>> -> memref<4x128xf32, #tpu.memory_space<hbm>>
    tpu.wait_dma2 semaphore(%arg9 : memref<!tpu.dma_semaphore, #tpu.memory_space<semaphore_mem>>) src(%dma_wait3A_20 : memref<4x128xf32, #tpu.memory_space<hbm>>) dst(%dma_wait3A_18 : memref<4x128xf32, #tpu.memory_space<vmem_shared>>)
    %barrier3A = arith.constant 0 : index
    tpu.barrier barrier_id(%barrier3A)
    %dma_wait3A_21 = arith.constant 0 : i32
    %dma_wait3A_22 = arith.constant 0 : i32
    %dma_wait3A_23 = tpu.memref_slice %arg3[%add3A, %dma_wait3A_21, %dma_wait3A_22] : memref<32x4x128xi32, #tpu.memory_space<hbm>> -> memref<1x4x128xi32, #tpu.memory_space<hbm>>
    %dma_wait3A_24 = tpu.memref_squeeze %dma_wait3A_23 : memref<1x4x128xi32, #tpu.memory_space<hbm>> -> memref<4x128xi32, #tpu.memory_space<hbm>>
    %dma_wait3A_25 = arith.constant 0 : i32
    %dma_wait3A_26 = arith.constant 0 : i32
    %dma_wait3A_27 = tpu.memref_slice %arg3[%add3A, %dma_wait3A_25, %dma_wait3A_26] : memref<32x4x128xi32, #tpu.memory_space<hbm>> -> memref<1x4x128xi32, #tpu.memory_space<hbm>>
    %dma_wait3A_28 = tpu.memref_squeeze %dma_wait3A_27 : memref<1x4x128xi32, #tpu.memory_space<hbm>> -> memref<4x128xi32, #tpu.memory_space<hbm>>
    tpu.wait_dma2 semaphore(%arg8 : memref<!tpu.dma_semaphore, #tpu.memory_space<semaphore_mem>>) src(%dma_wait3A_28 : memref<4x128xi32, #tpu.memory_space<hbm>>) dst(%arg5 : memref<4x128xi32, #tpu.memory_space<vmem>>)
    %dma_start3A_29 = arith.constant 0 : i32
    %dma_start3A_30 = arith.constant 0 : i32
    %dma_start3A_31 = arith.constant 0 : i32
    %dma_start3A_32 = arith.constant 0 : i32
    %dma_start3A_33 = tpu.memref_slice %arg6[%dma_start3A_30, %dma_start3A_31, %dma_start3A_32] : memref<4x128x128xf32, #tpu.memory_space<vmem>> -> memref<1x128x128xf32, #tpu.memory_space<vmem>>
    %dma_start3A_34 = tpu.memref_squeeze %dma_start3A_33 : memref<1x128x128xf32, #tpu.memory_space<vmem>> -> memref<128x128xf32, #tpu.memory_space<vmem>>
    %dma_start3A_35 = arith.constant 0 : i32
    %dma_start3A_36 = tpu.memref_slice %arg5[%dma_start3A_29, %dma_start3A_35] : memref<4x128xi32, #tpu.memory_space<vmem>> -> memref<1x128xi32, #tpu.memory_space<vmem>>
    %dma_start3A_37 = tpu.memref_squeeze %dma_start3A_36 : memref<1x128xi32, #tpu.memory_space<vmem>> -> memref<128xi32, #tpu.memory_space<vmem>>
    %dma_start3A_38 = arith.constant 0 : i32
    %dma_start3A_39 = arith.constant 0 : i32
    %dma_start3A_40 = tpu.memref_slice %arg7[%dma_start3A_38, %dma_start3A_39] : memref<64x128xf32, #tpu.memory_space<vmem_shared>> -> memref<64x128xf32, #tpu.memory_space<vmem_shared>>
    tpu.enqueue_indirect_dma source(%dma_start3A_40 : memref<64x128xf32, #tpu.memory_space<vmem_shared>>) target(%dma_start3A_34 : memref<128x128xf32, #tpu.memory_space<vmem>>) offsets(%dma_start3A_37 : memref<128xi32, #tpu.memory_space<vmem>>) semaphore(%arg10 : memref<!tpu.dma_semaphore, #tpu.memory_space<semaphore_mem>>)
    %dma_start3A_41 = arith.constant 1 : i32
    %dma_start3A_42 = arith.constant 1 : i32
    %dma_start3A_43 = arith.constant 0 : i32
    %dma_start3A_44 = arith.constant 0 : i32
    %dma_start3A_45 = tpu.memref_slice %arg6[%dma_start3A_42, %dma_start3A_43, %dma_start3A_44] : memref<4x128x128xf32, #tpu.memory_space<vmem>> -> memref<1x128x128xf32, #tpu.memory_space<vmem>>
    %dma_start3A_46 = tpu.memref_squeeze %dma_start3A_45 : memref<1x128x128xf32, #tpu.memory_space<vmem>> -> memref<128x128xf32, #tpu.memory_space<vmem>>
    %dma_start3A_47 = arith.constant 0 : i32
    %dma_start3A_48 = tpu.memref_slice %arg5[%dma_start3A_41, %dma_start3A_47] : memref<4x128xi32, #tpu.memory_space<vmem>> -> memref<1x128xi32, #tpu.memory_space<vmem>>
    %dma_start3A_49 = tpu.memref_squeeze %dma_start3A_48 : memref<1x128xi32, #tpu.memory_space<vmem>> -> memref<128xi32, #tpu.memory_space<vmem>>
    %dma_start3A_50 = arith.constant 0 : i32
    %dma_start3A_51 = arith.constant 0 : i32
    %dma_start3A_52 = tpu.memref_slice %arg7[%dma_start3A_50, %dma_start3A_51] : memref<64x128xf32, #tpu.memory_space<vmem_shared>> -> memref<64x128xf32, #tpu.memory_space<vmem_shared>>
    tpu.enqueue_indirect_dma source(%dma_start3A_52 : memref<64x128xf32, #tpu.memory_space<vmem_shared>>) target(%dma_start3A_46 : memref<128x128xf32, #tpu.memory_space<vmem>>) offsets(%dma_start3A_49 : memref<128xi32, #tpu.memory_space<vmem>>) semaphore(%arg11 : memref<!tpu.dma_semaphore, #tpu.memory_space<semaphore_mem>>)
    %dma_start3A_53 = arith.constant 2 : i32
    %dma_start3A_54 = arith.constant 2 : i32
    %dma_start3A_55 = arith.constant 0 : i32
    %dma_start3A_56 = arith.constant 0 : i32
    %dma_start3A_57 = tpu.memref_slice %arg6[%dma_start3A_54, %dma_start3A_55, %dma_start3A_56] : memref<4x128x128xf32, #tpu.memory_space<vmem>> -> memref<1x128x128xf32, #tpu.memory_space<vmem>>
    %dma_start3A_58 = tpu.memref_squeeze %dma_start3A_57 : memref<1x128x128xf32, #tpu.memory_space<vmem>> -> memref<128x128xf32, #tpu.memory_space<vmem>>
    %dma_start3A_59 = arith.constant 0 : i32
    %dma_start3A_60 = tpu.memref_slice %arg5[%dma_start3A_53, %dma_start3A_59] : memref<4x128xi32, #tpu.memory_space<vmem>> -> memref<1x128xi32, #tpu.memory_space<vmem>>
    %dma_start3A_61 = tpu.memref_squeeze %dma_start3A_60 : memref<1x128xi32, #tpu.memory_space<vmem>> -> memref<128xi32, #tpu.memory_space<vmem>>
    %dma_start3A_62 = arith.constant 0 : i32
    %dma_start3A_63 = arith.constant 0 : i32
    %dma_start3A_64 = tpu.memref_slice %arg7[%dma_start3A_62, %dma_start3A_63] : memref<64x128xf32, #tpu.memory_space<vmem_shared>> -> memref<64x128xf32, #tpu.memory_space<vmem_shared>>
    tpu.enqueue_indirect_dma source(%dma_start3A_64 : memref<64x128xf32, #tpu.memory_space<vmem_shared>>) target(%dma_start3A_58 : memref<128x128xf32, #tpu.memory_space<vmem>>) offsets(%dma_start3A_61 : memref<128xi32, #tpu.memory_space<vmem>>) semaphore(%arg12 : memref<!tpu.dma_semaphore, #tpu.memory_space<semaphore_mem>>)
    %dma_start3A_65 = arith.constant 3 : i32
    %dma_start3A_66 = arith.constant 3 : i32
    %dma_start3A_67 = arith.constant 0 : i32
    %dma_start3A_68 = arith.constant 0 : i32
    %dma_start3A_69 = tpu.memref_slice %arg6[%dma_start3A_66, %dma_start3A_67, %dma_start3A_68] : memref<4x128x128xf32, #tpu.memory_space<vmem>> -> memref<1x128x128xf32, #tpu.memory_space<vmem>>
    %dma_start3A_70 = tpu.memref_squeeze %dma_start3A_69 : memref<1x128x128xf32, #tpu.memory_space<vmem>> -> memref<128x128xf32, #tpu.memory_space<vmem>>
    %dma_start3A_71 = arith.constant 0 : i32
    %dma_start3A_72 = tpu.memref_slice %arg5[%dma_start3A_65, %dma_start3A_71] : memref<4x128xi32, #tpu.memory_space<vmem>> -> memref<1x128xi32, #tpu.memory_space<vmem>>
    %dma_start3A_73 = tpu.memref_squeeze %dma_start3A_72 : memref<1x128xi32, #tpu.memory_space<vmem>> -> memref<128xi32, #tpu.memory_space<vmem>>
    %dma_start3A_74 = arith.constant 0 : i32
    %dma_start3A_75 = arith.constant 0 : i32
    %dma_start3A_76 = tpu.memref_slice %arg7[%dma_start3A_74, %dma_start3A_75] : memref<64x128xf32, #tpu.memory_space<vmem_shared>> -> memref<64x128xf32, #tpu.memory_space<vmem_shared>>
    tpu.enqueue_indirect_dma source(%dma_start3A_76 : memref<64x128xf32, #tpu.memory_space<vmem_shared>>) target(%dma_start3A_70 : memref<128x128xf32, #tpu.memory_space<vmem>>) offsets(%dma_start3A_73 : memref<128xi32, #tpu.memory_space<vmem>>) semaphore(%arg13 : memref<!tpu.dma_semaphore, #tpu.memory_space<semaphore_mem>>)
    %dma_wait3A_77 = arith.constant 0 : i32
    %dma_wait3A_78 = arith.constant 0 : i32
    %dma_wait3A_79 = arith.constant 0 : i32
    %dma_wait3A_80 = arith.constant 0 : i32
    %dma_wait3A_81 = tpu.memref_slice %arg6[%dma_wait3A_78, %dma_wait3A_79, %dma_wait3A_80] : memref<4x128x128xf32, #tpu.memory_space<vmem>> -> memref<1x128x128xf32, #tpu.memory_space<vmem>>
    %dma_wait3A_82 = tpu.memref_squeeze %dma_wait3A_81 : memref<1x128x128xf32, #tpu.memory_space<vmem>> -> memref<128x128xf32, #tpu.memory_space<vmem>>
    %dma_wait3A_83 = arith.constant 0 : i32
    %dma_wait3A_84 = tpu.memref_slice %arg5[%dma_wait3A_77, %dma_wait3A_83] : memref<4x128xi32, #tpu.memory_space<vmem>> -> memref<1x128xi32, #tpu.memory_space<vmem>>
    %dma_wait3A_85 = tpu.memref_squeeze %dma_wait3A_84 : memref<1x128xi32, #tpu.memory_space<vmem>> -> memref<128xi32, #tpu.memory_space<vmem>>
    %dma_wait3A_86 = arith.constant 0 : i32
    %dma_wait3A_87 = arith.constant 0 : i32
    %dma_wait3A_88 = tpu.memref_slice %arg7[%dma_wait3A_86, %dma_wait3A_87] : memref<64x128xf32, #tpu.memory_space<vmem_shared>> -> memref<64x128xf32, #tpu.memory_space<vmem_shared>>
    tpu.wait_indirect_dma semaphore(%arg10 : memref<!tpu.dma_semaphore, #tpu.memory_space<semaphore_mem>>) src(%dma_wait3A_88 : memref<64x128xf32, #tpu.memory_space<vmem_shared>>) dst(%dma_wait3A_82 : memref<128x128xf32, #tpu.memory_space<vmem>>)
    %add3A_89 = arith.constant 0 : i32
    %add3A_90 = arith.addi %mul3A_2, %add3A_89 : i32
    %dma_start3A_91 = arith.constant 0 : i32
    %dma_start3A_92 = arith.constant 0 : i32
    %dma_start3A_93 = arith.constant 0 : i32
    %dma_start3A_94 = tpu.memref_slice %arg6[%dma_start3A_91, %dma_start3A_92, %dma_start3A_93] : memref<4x128x128xf32, #tpu.memory_space<vmem>> -> memref<1x128x128xf32, #tpu.memory_space<vmem>>
    %dma_start3A_95 = tpu.memref_squeeze %dma_start3A_94 : memref<1x128x128xf32, #tpu.memory_space<vmem>> -> memref<128x128xf32, #tpu.memory_space<vmem>>
    %dma_start3A_96 = arith.constant 0 : i32
    %dma_start3A_97 = tpu.memref_slice %arg4[%add3A_90, %dma_start3A_96] : memref<16384x128xf32, #tpu.memory_space<hbm>> -> memref<128x128xf32, #tpu.memory_space<hbm>>
    %dma_start3A_98 = arith.constant 0 : i32
    %dma_start3A_99 = tpu.memref_slice %arg4[%add3A_90, %dma_start3A_98] : memref<16384x128xf32, #tpu.memory_space<hbm>> -> memref<128x128xf32, #tpu.memory_space<hbm>>
    %dma_start3A_100 = arith.constant 0 : i32
    %dma_start3A_101 = arith.constant 0 : i32
    %dma_start3A_102 = tpu.memref_slice %arg6[%dma_start3A_91, %dma_start3A_100, %dma_start3A_101] : memref<4x128x128xf32, #tpu.memory_space<vmem>> -> memref<1x128x128xf32, #tpu.memory_space<vmem>>
    %dma_start3A_103 = tpu.memref_squeeze %dma_start3A_102 : memref<1x128x128xf32, #tpu.memory_space<vmem>> -> memref<128x128xf32, #tpu.memory_space<vmem>>
    tpu.enqueue_dma source(%dma_start3A_103 : memref<128x128xf32, #tpu.memory_space<vmem>>) target(%dma_start3A_99 : memref<128x128xf32, #tpu.memory_space<hbm>>) target_semaphore(%arg14 : memref<!tpu.dma_semaphore, #tpu.memory_space<semaphore_mem>>)
    %dma_wait3A_104 = arith.constant 1 : i32
    %dma_wait3A_105 = arith.constant 1 : i32
    %dma_wait3A_106 = arith.constant 0 : i32
    %dma_wait3A_107 = arith.constant 0 : i32
    %dma_wait3A_108 = tpu.memref_slice %arg6[%dma_wait3A_105, %dma_wait3A_106, %dma_wait3A_107] : memref<4x128x128xf32, #tpu.memory_space<vmem>> -> memref<1x128x128xf32, #tpu.memory_space<vmem>>
    %dma_wait3A_109 = tpu.memref_squeeze %dma_wait3A_108 : memref<1x128x128xf32, #tpu.memory_space<vmem>> -> memref<128x128xf32, #tpu.memory_space<vmem>>
    %dma_wait3A_110 = arith.constant 0 : i32
    %dma_wait3A_111 = tpu.memref_slice %arg5[%dma_wait3A_104, %dma_wait3A_110] : memref<4x128xi32, #tpu.memory_space<vmem>> -> memref<1x128xi32, #tpu.memory_space<vmem>>
    %dma_wait3A_112 = tpu.memref_squeeze %dma_wait3A_111 : memref<1x128xi32, #tpu.memory_space<vmem>> -> memref<128xi32, #tpu.memory_space<vmem>>
    %dma_wait3A_113 = arith.constant 0 : i32
    %dma_wait3A_114 = arith.constant 0 : i32
    %dma_wait3A_115 = tpu.memref_slice %arg7[%dma_wait3A_113, %dma_wait3A_114] : memref<64x128xf32, #tpu.memory_space<vmem_shared>> -> memref<64x128xf32, #tpu.memory_space<vmem_shared>>
    tpu.wait_indirect_dma semaphore(%arg11 : memref<!tpu.dma_semaphore, #tpu.memory_space<semaphore_mem>>) src(%dma_wait3A_115 : memref<64x128xf32, #tpu.memory_space<vmem_shared>>) dst(%dma_wait3A_109 : memref<128x128xf32, #tpu.memory_space<vmem>>)
    %add3A_116 = arith.constant 128 : i32
    %add3A_117 = arith.addi %mul3A_2, %add3A_116 : i32
    %dma_start3A_118 = arith.constant 1 : i32
    %dma_start3A_119 = arith.constant 0 : i32
    %dma_start3A_120 = arith.constant 0 : i32
    %dma_start3A_121 = tpu.memref_slice %arg6[%dma_start3A_118, %dma_start3A_119, %dma_start3A_120] : memref<4x128x128xf32, #tpu.memory_space<vmem>> -> memref<1x128x128xf32, #tpu.memory_space<vmem>>
    %dma_start3A_122 = tpu.memref_squeeze %dma_start3A_121 : memref<1x128x128xf32, #tpu.memory_space<vmem>> -> memref<128x128xf32, #tpu.memory_space<vmem>>
    %dma_start3A_123 = arith.constant 0 : i32
    %dma_start3A_124 = tpu.memref_slice %arg4[%add3A_117, %dma_start3A_123] : memref<16384x128xf32, #tpu.memory_space<hbm>> -> memref<128x128xf32, #tpu.memory_space<hbm>>
    %dma_start3A_125 = arith.constant 0 : i32
    %dma_start3A_126 = tpu.memref_slice %arg4[%add3A_117, %dma_start3A_125] : memref<16384x128xf32, #tpu.memory_space<hbm>> -> memref<128x128xf32, #tpu.memory_space<hbm>>
    %dma_start3A_127 = arith.constant 0 : i32
    %dma_start3A_128 = arith.constant 0 : i32
    %dma_start3A_129 = tpu.memref_slice %arg6[%dma_start3A_118, %dma_start3A_127, %dma_start3A_128] : memref<4x128x128xf32, #tpu.memory_space<vmem>> -> memref<1x128x128xf32, #tpu.memory_space<vmem>>
    %dma_start3A_130 = tpu.memref_squeeze %dma_start3A_129 : memref<1x128x128xf32, #tpu.memory_space<vmem>> -> memref<128x128xf32, #tpu.memory_space<vmem>>
    tpu.enqueue_dma source(%dma_start3A_130 : memref<128x128xf32, #tpu.memory_space<vmem>>) target(%dma_start3A_126 : memref<128x128xf32, #tpu.memory_space<hbm>>) target_semaphore(%arg14 : memref<!tpu.dma_semaphore, #tpu.memory_space<semaphore_mem>>)
    %dma_wait3A_131 = arith.constant 2 : i32
    %dma_wait3A_132 = arith.constant 2 : i32
    %dma_wait3A_133 = arith.constant 0 : i32
    %dma_wait3A_134 = arith.constant 0 : i32
    %dma_wait3A_135 = tpu.memref_slice %arg6[%dma_wait3A_132, %dma_wait3A_133, %dma_wait3A_134] : memref<4x128x128xf32, #tpu.memory_space<vmem>> -> memref<1x128x128xf32, #tpu.memory_space<vmem>>
    %dma_wait3A_136 = tpu.memref_squeeze %dma_wait3A_135 : memref<1x128x128xf32, #tpu.memory_space<vmem>> -> memref<128x128xf32, #tpu.memory_space<vmem>>
    %dma_wait3A_137 = arith.constant 0 : i32
    %dma_wait3A_138 = tpu.memref_slice %arg5[%dma_wait3A_131, %dma_wait3A_137] : memref<4x128xi32, #tpu.memory_space<vmem>> -> memref<1x128xi32, #tpu.memory_space<vmem>>
    %dma_wait3A_139 = tpu.memref_squeeze %dma_wait3A_138 : memref<1x128xi32, #tpu.memory_space<vmem>> -> memref<128xi32, #tpu.memory_space<vmem>>
    %dma_wait3A_140 = arith.constant 0 : i32
    %dma_wait3A_141 = arith.constant 0 : i32
    %dma_wait3A_142 = tpu.memref_slice %arg7[%dma_wait3A_140, %dma_wait3A_141] : memref<64x128xf32, #tpu.memory_space<vmem_shared>> -> memref<64x128xf32, #tpu.memory_space<vmem_shared>>
    tpu.wait_indirect_dma semaphore(%arg12 : memref<!tpu.dma_semaphore, #tpu.memory_space<semaphore_mem>>) src(%dma_wait3A_142 : memref<64x128xf32, #tpu.memory_space<vmem_shared>>) dst(%dma_wait3A_136 : memref<128x128xf32, #tpu.memory_space<vmem>>)
    %add3A_143 = arith.constant 256 : i32
    %add3A_144 = arith.addi %mul3A_2, %add3A_143 : i32
    %dma_start3A_145 = arith.constant 2 : i32
    %dma_start3A_146 = arith.constant 0 : i32
    %dma_start3A_147 = arith.constant 0 : i32
    %dma_start3A_148 = tpu.memref_slice %arg6[%dma_start3A_145, %dma_start3A_146, %dma_start3A_147] : memref<4x128x128xf32, #tpu.memory_space<vmem>> -> memref<1x128x128xf32, #tpu.memory_space<vmem>>
    %dma_start3A_149 = tpu.memref_squeeze %dma_start3A_148 : memref<1x128x128xf32, #tpu.memory_space<vmem>> -> memref<128x128xf32, #tpu.memory_space<vmem>>
    %dma_start3A_150 = arith.constant 0 : i32
    %dma_start3A_151 = tpu.memref_slice %arg4[%add3A_144, %dma_start3A_150] : memref<16384x128xf32, #tpu.memory_space<hbm>> -> memref<128x128xf32, #tpu.memory_space<hbm>>
    %dma_start3A_152 = arith.constant 0 : i32
    %dma_start3A_153 = tpu.memref_slice %arg4[%add3A_144, %dma_start3A_152] : memref<16384x128xf32, #tpu.memory_space<hbm>> -> memref<128x128xf32, #tpu.memory_space<hbm>>
    %dma_start3A_154 = arith.constant 0 : i32
    %dma_start3A_155 = arith.constant 0 : i32
    %dma_start3A_156 = tpu.memref_slice %arg6[%dma_start3A_145, %dma_start3A_154, %dma_start3A_155] : memref<4x128x128xf32, #tpu.memory_space<vmem>> -> memref<1x128x128xf32, #tpu.memory_space<vmem>>
    %dma_start3A_157 = tpu.memref_squeeze %dma_start3A_156 : memref<1x128x128xf32, #tpu.memory_space<vmem>> -> memref<128x128xf32, #tpu.memory_space<vmem>>
    tpu.enqueue_dma source(%dma_start3A_157 : memref<128x128xf32, #tpu.memory_space<vmem>>) target(%dma_start3A_153 : memref<128x128xf32, #tpu.memory_space<hbm>>) target_semaphore(%arg14 : memref<!tpu.dma_semaphore, #tpu.memory_space<semaphore_mem>>)
    %dma_wait3A_158 = arith.constant 3 : i32
    %dma_wait3A_159 = arith.constant 3 : i32
    %dma_wait3A_160 = arith.constant 0 : i32
    %dma_wait3A_161 = arith.constant 0 : i32
    %dma_wait3A_162 = tpu.memref_slice %arg6[%dma_wait3A_159, %dma_wait3A_160, %dma_wait3A_161] : memref<4x128x128xf32, #tpu.memory_space<vmem>> -> memref<1x128x128xf32, #tpu.memory_space<vmem>>
    %dma_wait3A_163 = tpu.memref_squeeze %dma_wait3A_162 : memref<1x128x128xf32, #tpu.memory_space<vmem>> -> memref<128x128xf32, #tpu.memory_space<vmem>>
    %dma_wait3A_164 = arith.constant 0 : i32
    %dma_wait3A_165 = tpu.memref_slice %arg5[%dma_wait3A_158, %dma_wait3A_164] : memref<4x128xi32, #tpu.memory_space<vmem>> -> memref<1x128xi32, #tpu.memory_space<vmem>>
    %dma_wait3A_166 = tpu.memref_squeeze %dma_wait3A_165 : memref<1x128xi32, #tpu.memory_space<vmem>> -> memref<128xi32, #tpu.memory_space<vmem>>
    %dma_wait3A_167 = arith.constant 0 : i32
    %dma_wait3A_168 = arith.constant 0 : i32
    %dma_wait3A_169 = tpu.memref_slice %arg7[%dma_wait3A_167, %dma_wait3A_168] : memref<64x128xf32, #tpu.memory_space<vmem_shared>> -> memref<64x128xf32, #tpu.memory_space<vmem_shared>>
    tpu.wait_indirect_dma semaphore(%arg13 : memref<!tpu.dma_semaphore, #tpu.memory_space<semaphore_mem>>) src(%dma_wait3A_169 : memref<64x128xf32, #tpu.memory_space<vmem_shared>>) dst(%dma_wait3A_163 : memref<128x128xf32, #tpu.memory_space<vmem>>)
    %add3A_170 = arith.constant 384 : i32
    %add3A_171 = arith.addi %mul3A_2, %add3A_170 : i32
    %dma_start3A_172 = arith.constant 3 : i32
    %dma_start3A_173 = arith.constant 0 : i32
    %dma_start3A_174 = arith.constant 0 : i32
    %dma_start3A_175 = tpu.memref_slice %arg6[%dma_start3A_172, %dma_start3A_173, %dma_start3A_174] : memref<4x128x128xf32, #tpu.memory_space<vmem>> -> memref<1x128x128xf32, #tpu.memory_space<vmem>>
    %dma_start3A_176 = tpu.memref_squeeze %dma_start3A_175 : memref<1x128x128xf32, #tpu.memory_space<vmem>> -> memref<128x128xf32, #tpu.memory_space<vmem>>
    %dma_start3A_177 = arith.constant 0 : i32
    %dma_start3A_178 = tpu.memref_slice %arg4[%add3A_171, %dma_start3A_177] : memref<16384x128xf32, #tpu.memory_space<hbm>> -> memref<128x128xf32, #tpu.memory_space<hbm>>
    %dma_start3A_179 = arith.constant 0 : i32
    %dma_start3A_180 = tpu.memref_slice %arg4[%add3A_171, %dma_start3A_179] : memref<16384x128xf32, #tpu.memory_space<hbm>> -> memref<128x128xf32, #tpu.memory_space<hbm>>
    %dma_start3A_181 = arith.constant 0 : i32
    %dma_start3A_182 = arith.constant 0 : i32
    %dma_start3A_183 = tpu.memref_slice %arg6[%dma_start3A_172, %dma_start3A_181, %dma_start3A_182] : memref<4x128x128xf32, #tpu.memory_space<vmem>> -> memref<1x128x128xf32, #tpu.memory_space<vmem>>
    %dma_start3A_184 = tpu.memref_squeeze %dma_start3A_183 : memref<1x128x128xf32, #tpu.memory_space<vmem>> -> memref<128x128xf32, #tpu.memory_space<vmem>>
    tpu.enqueue_dma source(%dma_start3A_184 : memref<128x128xf32, #tpu.memory_space<vmem>>) target(%dma_start3A_180 : memref<128x128xf32, #tpu.memory_space<hbm>>) target_semaphore(%arg14 : memref<!tpu.dma_semaphore, #tpu.memory_space<semaphore_mem>>)
    %dma_wait3A_185 = arith.constant 0 : i32
    %dma_wait3A_186 = arith.constant 0 : i32
    %dma_wait3A_187 = arith.constant 0 : i32
    %dma_wait3A_188 = tpu.memref_slice %arg6[%dma_wait3A_185, %dma_wait3A_186, %dma_wait3A_187] : memref<4x128x128xf32, #tpu.memory_space<vmem>> -> memref<1x128x128xf32, #tpu.memory_space<vmem>>
    %dma_wait3A_189 = tpu.memref_squeeze %dma_wait3A_188 : memref<1x128x128xf32, #tpu.memory_space<vmem>> -> memref<128x128xf32, #tpu.memory_space<vmem>>
    %dma_wait3A_190 = arith.constant 0 : i32
    %dma_wait3A_191 = tpu.memref_slice %arg4[%add3A_90, %dma_wait3A_190] : memref<16384x128xf32, #tpu.memory_space<hbm>> -> memref<128x128xf32, #tpu.memory_space<hbm>>
    %dma_wait3A_192 = arith.constant 0 : i32
    %dma_wait3A_193 = tpu.memref_slice %arg4[%add3A_90, %dma_wait3A_192] : memref<16384x128xf32, #tpu.memory_space<hbm>> -> memref<128x128xf32, #tpu.memory_space<hbm>>
    %dma_wait3A_194 = arith.constant 0 : i32
    %dma_wait3A_195 = arith.constant 0 : i32
    %dma_wait3A_196 = tpu.memref_slice %arg6[%dma_wait3A_185, %dma_wait3A_194, %dma_wait3A_195] : memref<4x128x128xf32, #tpu.memory_space<vmem>> -> memref<1x128x128xf32, #tpu.memory_space<vmem>>
    %dma_wait3A_197 = tpu.memref_squeeze %dma_wait3A_196 : memref<1x128x128xf32, #tpu.memory_space<vmem>> -> memref<128x128xf32, #tpu.memory_space<vmem>>
    tpu.wait_dma2 semaphore(%arg14 : memref<!tpu.dma_semaphore, #tpu.memory_space<semaphore_mem>>) src(%dma_wait3A_197 : memref<128x128xf32, #tpu.memory_space<vmem>>) dst(%dma_wait3A_193 : memref<128x128xf32, #tpu.memory_space<hbm>>)
    %dma_wait3A_198 = arith.constant 1 : i32
    %dma_wait3A_199 = arith.constant 0 : i32
    %dma_wait3A_200 = arith.constant 0 : i32
    %dma_wait3A_201 = tpu.memref_slice %arg6[%dma_wait3A_198, %dma_wait3A_199, %dma_wait3A_200] : memref<4x128x128xf32, #tpu.memory_space<vmem>> -> memref<1x128x128xf32, #tpu.memory_space<vmem>>
    %dma_wait3A_202 = tpu.memref_squeeze %dma_wait3A_201 : memref<1x128x128xf32, #tpu.memory_space<vmem>> -> memref<128x128xf32, #tpu.memory_space<vmem>>
    %dma_wait3A_203 = arith.constant 0 : i32
    %dma_wait3A_204 = tpu.memref_slice %arg4[%add3A_117, %dma_wait3A_203] : memref<16384x128xf32, #tpu.memory_space<hbm>> -> memref<128x128xf32, #tpu.memory_space<hbm>>
    %dma_wait3A_205 = arith.constant 0 : i32
    %dma_wait3A_206 = tpu.memref_slice %arg4[%add3A_117, %dma_wait3A_205] : memref<16384x128xf32, #tpu.memory_space<hbm>> -> memref<128x128xf32, #tpu.memory_space<hbm>>
    %dma_wait3A_207 = arith.constant 0 : i32
    %dma_wait3A_208 = arith.constant 0 : i32
    %dma_wait3A_209 = tpu.memref_slice %arg6[%dma_wait3A_198, %dma_wait3A_207, %dma_wait3A_208] : memref<4x128x128xf32, #tpu.memory_space<vmem>> -> memref<1x128x128xf32, #tpu.memory_space<vmem>>
    %dma_wait3A_210 = tpu.memref_squeeze %dma_wait3A_209 : memref<1x128x128xf32, #tpu.memory_space<vmem>> -> memref<128x128xf32, #tpu.memory_space<vmem>>
    tpu.wait_dma2 semaphore(%arg14 : memref<!tpu.dma_semaphore, #tpu.memory_space<semaphore_mem>>) src(%dma_wait3A_210 : memref<128x128xf32, #tpu.memory_space<vmem>>) dst(%dma_wait3A_206 : memref<128x128xf32, #tpu.memory_space<hbm>>)
    %dma_wait3A_211 = arith.constant 2 : i32
    %dma_wait3A_212 = arith.constant 0 : i32
    %dma_wait3A_213 = arith.constant 0 : i32
    %dma_wait3A_214 = tpu.memref_slice %arg6[%dma_wait3A_211, %dma_wait3A_212, %dma_wait3A_213] : memref<4x128x128xf32, #tpu.memory_space<vmem>> -> memref<1x128x128xf32, #tpu.memory_space<vmem>>
    %dma_wait3A_215 = tpu.memref_squeeze %dma_wait3A_214 : memref<1x128x128xf32, #tpu.memory_space<vmem>> -> memref<128x128xf32, #tpu.memory_space<vmem>>
    %dma_wait3A_216 = arith.constant 0 : i32
    %dma_wait3A_217 = tpu.memref_slice %arg4[%add3A_144, %dma_wait3A_216] : memref<16384x128xf32, #tpu.memory_space<hbm>> -> memref<128x128xf32, #tpu.memory_space<hbm>>
    %dma_wait3A_218 = arith.constant 0 : i32
    %dma_wait3A_219 = tpu.memref_slice %arg4[%add3A_144, %dma_wait3A_218] : memref<16384x128xf32, #tpu.memory_space<hbm>> -> memref<128x128xf32, #tpu.memory_space<hbm>>
    %dma_wait3A_220 = arith.constant 0 : i32
    %dma_wait3A_221 = arith.constant 0 : i32
    %dma_wait3A_222 = tpu.memref_slice %arg6[%dma_wait3A_211, %dma_wait3A_220, %dma_wait3A_221] : memref<4x128x128xf32, #tpu.memory_space<vmem>> -> memref<1x128x128xf32, #tpu.memory_space<vmem>>
    %dma_wait3A_223 = tpu.memref_squeeze %dma_wait3A_222 : memref<1x128x128xf32, #tpu.memory_space<vmem>> -> memref<128x128xf32, #tpu.memory_space<vmem>>
    tpu.wait_dma2 semaphore(%arg14 : memref<!tpu.dma_semaphore, #tpu.memory_space<semaphore_mem>>) src(%dma_wait3A_223 : memref<128x128xf32, #tpu.memory_space<vmem>>) dst(%dma_wait3A_219 : memref<128x128xf32, #tpu.memory_space<hbm>>)
    %dma_wait3A_224 = arith.constant 3 : i32
    %dma_wait3A_225 = arith.constant 0 : i32
    %dma_wait3A_226 = arith.constant 0 : i32
    %dma_wait3A_227 = tpu.memref_slice %arg6[%dma_wait3A_224, %dma_wait3A_225, %dma_wait3A_226] : memref<4x128x128xf32, #tpu.memory_space<vmem>> -> memref<1x128x128xf32, #tpu.memory_space<vmem>>
    %dma_wait3A_228 = tpu.memref_squeeze %dma_wait3A_227 : memref<1x128x128xf32, #tpu.memory_space<vmem>> -> memref<128x128xf32, #tpu.memory_space<vmem>>
    %dma_wait3A_229 = arith.constant 0 : i32
    %dma_wait3A_230 = tpu.memref_slice %arg4[%add3A_171, %dma_wait3A_229] : memref<16384x128xf32, #tpu.memory_space<hbm>> -> memref<128x128xf32, #tpu.memory_space<hbm>>
    %dma_wait3A_231 = arith.constant 0 : i32
    %dma_wait3A_232 = tpu.memref_slice %arg4[%add3A_171, %dma_wait3A_231] : memref<16384x128xf32, #tpu.memory_space<hbm>> -> memref<128x128xf32, #tpu.memory_space<hbm>>
    %dma_wait3A_233 = arith.constant 0 : i32
    %dma_wait3A_234 = arith.constant 0 : i32
    %dma_wait3A_235 = tpu.memref_slice %arg6[%dma_wait3A_224, %dma_wait3A_233, %dma_wait3A_234] : memref<4x128x128xf32, #tpu.memory_space<vmem>> -> memref<1x128x128xf32, #tpu.memory_space<vmem>>
    %dma_wait3A_236 = tpu.memref_squeeze %dma_wait3A_235 : memref<1x128x128xf32, #tpu.memory_space<vmem>> -> memref<128x128xf32, #tpu.memory_space<vmem>>
    tpu.wait_dma2 semaphore(%arg14 : memref<!tpu.dma_semaphore, #tpu.memory_space<semaphore_mem>>) src(%dma_wait3A_236 : memref<128x128xf32, #tpu.memory_space<vmem>>) dst(%dma_wait3A_232 : memref<128x128xf32, #tpu.memory_space<hbm>>)
    return
  }
}

module attributes {stable_mosaic.version = 14 : i64} {
  func.func @_normalize_body(%arg0: memref<64x128xf32, #tpu.memory_space<vmem>>, %arg1: memref<64x128xf32, #tpu.memory_space<vmem>>) attributes {dimension_semantics = [], scalar_prefetch = 0 : i64, scratch_operands = 0 : i64, tpu.core_type = #tpu.core_type<tc>} {
    %get3A = arith.constant 0 : index
    %get3A_0 = arith.constant 0 : index
    %get3A_1 = vector.load %arg0[%get3A, %get3A_0] : memref<64x128xf32, #tpu.memory_space<vmem>>, vector<64x128xf32>
    %mul3A = arith.mulf %get3A_1, %get3A_1 : vector<64x128xf32>
    %reduce_sum3A = arith.constant dense<0.000000e+00> : vector<64xf32>
    %reduce_sum3A_2 = vector.multi_reduction <add>, %mul3A, %reduce_sum3A [1] : vector<64x128xf32> to vector<64xf32>
    %broadcast_in_dim3A = vector.shape_cast %reduce_sum3A_2 : vector<64xf32> to vector<64x1xf32>
    %max3A = arith.constant 1.000000e-24 : f32
    %max3A_3 = vector.broadcast %max3A : f32 to vector<64x1xf32>
    %max3A_4 = arith.maximumf %broadcast_in_dim3A, %max3A_3 : vector<64x1xf32>
    %rsqrt3A = math.rsqrt %max3A_4 : vector<64x1xf32>
    %mul3A_5 = vector.broadcast %rsqrt3A : vector<64x1xf32> to vector<64x128xf32>
    %mul3A_6 = arith.mulf %get3A_1, %mul3A_5 : vector<64x128xf32>
    %swap3A = arith.constant 0 : index
    %swap3A_7 = arith.constant 0 : index
    %swap3A_8 = vector.load %arg1[%swap3A, %swap3A_7] : memref<64x128xf32, #tpu.memory_space<vmem>>, vector<64x128xf32>
    tpu.vector_store %arg1[%swap3A, %swap3A_7], %mul3A_6 {strides = array<i32>} : memref<64x128xf32, #tpu.memory_space<vmem>>, vector<64x128xf32>,
    return
  }
}

</mosaic_0001>

<sc_bundles>
// kernel: kernel.4.cloned.1.call-start
scs
__scs_entry_jumppad:
0x0: {  	(pc) =	sbr.rel $0x88, $3  }
0x1: {  	(tag) =	ssettag $0x0;
	lr =	simm.s32 $0x1  }
0x2: {  	[smem:$0x3F9F] =	sst lr;
	_ =	strace $0xD0000000  }
0x3: {  	_ = 	snop  }
0x4: {  	_ = 	snop  }
0x5: {  	_ = 	snop  }
0x6: {  	_ = 	snop  }
0x7: {  	_ = 	snop  }
__scs_overlays_trampoline_lowered:
0x8: {  	[smem:$0x3FAE] =	sst s0  }
0x9: {  	[smem:$0x3FAF] =	sst s1  }
0xa: {  	[smem:$0x3FB0] =	sst s2  }
0xb: {  	[smem:$0x3FB1] =	sst s3  }
0xc: {  	[smem:$0x3FB2] =	sst s4  }
0xd: {  	[smem:$0x3FB3] =	sst s5  }
0xe: {  	[smem:$0x3FB4] =	sst s6  }
0xf: {  	[smem:$0x3FB5] =	sst s7  }
0x10: {  	[smem:$0x3FB6] =	sst s8  }
0x11: {  	[smem:$0x3FB7] =	sst s9;
	s0 =	simm.s32 @!p0 $0x0  }
0x12: {  	s1 =	sld [smem:$0x3F9D];
	s0 =	simm.s32 @p0 $0x1  }
0x13: {  	[smem:$0x3FB8] =	sst s0;
	s0 =	simm.s32 @!p1 $0x0  }
0x14: {  	s2 =	sld [smem:$0x3F9C];
	s0 =	simm.s32 @p1 $0x1  }
0x15: {  	[smem:$0x3FB9] =	sst s0;
	s0 =	simm.s32 @!p2 $0x0  }
0x16: {  	s3 =	sld [smem:$0x3FDB];
	s0 =	simm.s32 @p2 $0x1  }
0x17: {  	s4 =	simm.s32 $0x1BF5;
	[smem:$0x3FBB] =	sst s0  }
0x18: {  	s0 =	sld [smem:$0x3F9E];
	_ =	swait.ge [sflag:s4], $0x0  }
0x19: {  	s7 =	sld [smem:$0x3F9F]  }
0x1a: {  	s8 =	sadd.s32 $0xFFFFE003, lr  }
0x1b: {  	s9 =	sadd.s32 $0xFFFFFEF7, lr;
	s5 =	simm.s32 $0xFFFFFFFF;
	p2 =	slt.u32 s8, $0xFFFFF086  }
0x1c: {  	p1 =	slt.u32 s9, $0xF7A;
	s5 =	simm.s32 @!p2 $0x0  }
0x1d: {  	s5 =	simm.s32 @p1 $0x1;
	p0 =	seq.s32 s7, s2  }
0x1e: {  	s7 =	smul.u32 @!p0 $0xF7A, s2;
	p2 =	seq.s32 @!p0 s5, $0x0  }
0x1f: {  	s9 =	smul.u32 $0xF7A, s1;
	s8 =	simm.s32 @!p0 $0x1BF5;
	p2 =	por !p2, p0  }
0x20: {  	[sflag:s8] =	ssyncset.s32 @!p0 $0xFFFFF086;
	s6 =	sadd.s32 @!p0 s3, s7;
	s7 =	simm.s32 @!p0 $0x108  }
0x21: {  	s3 =	sadd.s32 s3, s9;
	s6 =	sadd.s32 @!p0 $0x88, s6;
	s7 =	simm.s32 @p2 $0x1082  }
0x22: {  	[simem:s7], [sflag:s8] =	dma.local @!p0 [hbm:s6], $0xF7A  }
0x23: {  	s9 =	sor.u32 $0xD0000000, s2;
	s6 =	simm.s32 $0x108;
	_ =	swait.ge @!p0 [sflag:s8], $0x0  }
0x24: {  	s3 =	sadd.s32 $0x88, s3;
	s6 =	simm.s32 @!p1 $0x1082;
	[sflag:s4] =	ssyncset.s32 $0xFFFFF086  }
0x25: {  	[simem:s6], [sflag:s4] =	dma.local [hbm:s3], $0xF7A  }
0x26: {  	[smem:$0x3F9F] =	sst s1;
	(tag) =	ssettag s2;
	_ =	strace s9  }
0x27: {  	s1 =	sld [smem:$0x3FAF]  }
0x28: {  	s2 =	sld [smem:$0x3FB0]  }
0x29: {  	s4 =	sld [smem:$0x3FB2]  }
0x2a: {  	p0 =	seq.s32 s5, $0x0;
	s5 =	sld [smem:$0x3FB3]  }
0x2b: {  	s6 =	sld [smem:$0x3FB4]  }
0x2c: {  	s7 =	sld [smem:$0x3FB5]  }
0x2d: {  	s3 =	simm.s32 $0x108;
	s8 =	sld [smem:$0x3FB6]  }
0x2e: {  	s3 =	simm.s32 @!p0 $0x1082;
	s9 =	sld [smem:$0x3FB7]  }
0x2f: {  	lr =	sadd.s32 s0, s3;
	s0 =	sld [smem:$0x3FAE]  }
0x30: {  	s3 =	sld [smem:$0x3FB1]  }
0x31: {  	[smem:$0x3FBA] =	sst s10  }
0x32: {  	s10 =	sld [smem:$0x3FB8];
	_ =	sdelay $0x3  }
0x33: {  	p0 =	seq.s32 s10, $0x1;
	s10 =	sld [smem:$0x3FBA];
	_ =	sdelay $0x3  }
0x34: {  	[smem:$0x3FBA] =	sst s10  }
0x35: {  	s10 =	sld [smem:$0x3FB9];
	_ =	sdelay $0x3  }
0x36: {  	p1 =	seq.s32 s10, $0x1;
	s10 =	sld [smem:$0x3FBA];
	_ =	sdelay $0x3  }
0x37: {  	[smem:$0x3FBA] =	sst s10  }
0x38: {  	s10 =	sld [smem:$0x3FBB]  }
0x39: {  	_ = 	snop;
	(pc) =	sbr.ind lr, $3  }
0x3a: {  	_ = 	snop  }
0x3b: {  	_ = 	snop  }
0x3c: {  	p2 =	seq.s32 s10, $0x1;
	s10 =	sld [smem:$0x3FBA]  }
0x3d: {  	_ =	shalt  }
0x3e: {  	_ =	shalt  }
0x3f: {  	_ =	shalt  }
0x40: {  	_ =	shalt  }
0x41: {  	_ =	shalt  }
0x42: {  	_ =	shalt  }
0x43: {  	_ =	shalt  }
0x44: {  	_ =	shalt  }
0x45: {  	_ =	shalt  }
0x46: {  	_ =	shalt  }
0x47: {  	_ =	shalt  }
0x48: {  	_ =	shalt  }
0x49: {  	_ =	shalt  }
0x4a: {  	_ =	shalt  }
0x4b: {  	_ =	shalt  }
0x4c: {  	_ =	shalt  }
0x4d: {  	_ =	shalt  }
0x4e: {  	_ =	shalt  }
0x4f: {  	_ =	shalt  }
0x50: {  	_ =	shalt  }
0x51: {  	_ =	shalt  }
0x52: {  	_ =	shalt  }
0x53: {  	_ =	shalt  }
0x54: {  	_ =	shalt  }
0x55: {  	_ =	shalt  }
0x56: {  	_ =	shalt  }
0x57: {  	_ =	shalt  }
0x58: {  	_ =	shalt  }
0x59: {  	_ =	shalt  }
0x5a: {  	_ =	shalt  }
0x5b: {  	_ =	shalt  }
0x5c: {  	_ =	shalt  }
0x5d: {  	_ =	shalt  }
0x5e: {  	_ =	shalt  }
0x5f: {  	_ =	shalt  }
0x60: {  	_ =	shalt  }
0x61: {  	_ =	shalt  }
0x62: {  	_ =	shalt  }
0x63: {  	_ =	shalt  }
0x64: {  	_ =	shalt  }
0x65: {  	_ =	shalt  }
0x66: {  	_ =	shalt  }
0x67: {  	_ =	shalt  }
0x68: {  	_ =	shalt  }
0x69: {  	_ =	shalt  }
0x6a: {  	_ =	shalt  }
0x6b: {  	_ =	shalt  }
0x6c: {  	_ =	shalt  }
0x6d: {  	_ =	shalt  }
0x6e: {  	_ =	shalt  }
0x6f: {  	_ =	shalt  }
0x70: {  	_ =	shalt  }
0x71: {  	_ =	shalt  }
0x72: {  	_ =	shalt  }
0x73: {  	_ =	shalt  }
0x74: {  	_ =	shalt  }
0x75: {  	_ =	shalt  }
0x76: {  	_ =	shalt  }
0x77: {  	_ =	shalt  }
0x78: {  	_ =	shalt  }
0x79: {  	_ =	shalt  }
0x7a: {  	_ =	shalt  }
0x7b: {  	_ =	shalt  }
0x7c: {  	_ =	shalt  }
0x7d: {  	_ =	shalt  }
0x7e: {  	_ =	shalt  }
0x7f: {  	_ =	shalt  }
0x80: {  	_ =	shalt  }
0x81: {  	_ =	shalt  }
0x82: {  	_ =	shalt  }
0x83: {  	_ =	shalt  }
0x84: {  	_ =	shalt  }
0x85: {  	_ =	shalt  }
0x86: {  	_ =	shalt  }
0x87: {  	_ =	shalt  }
.Lfunc_end0:
.L_simem_size_0:
called_computation_lowered:
.L_overlay_start_0:
0x88: {  	s2 =	sld [smem:$0x3FD9]  }
0x89: {  	s3 =	sld [smem:$0x3FFE];
	_ =	sdelay $0x1  }
0x8a: {  	s1 =	srdreg.scid  }
0x8b: {  	s0 =	sand.u32 $0x1, s1  }
0x8c: {  	s17 =	sshll.u32 s0, $0xA;
	s2 =	sadd.s32 s3, s2  }
0x8d: {  	s2 =	sadd.s32 s2, s17  }
0x8e: {  	[smem:$0x3FC6] =	sst s2  }
0x8f: {  	_ = 	snop  }
0x90: {  	s2 =	sld [smem:$0x3FC9]  }
0x91: {  	s18 =	sld [smem:$0x3FD0];
	(tm) =	ssettm $0x1  }
0x92: {  	s4 =	sld [smem:$0x3FFB];
	_ =	sdelay $0x3  }
0x93: {  	_ =	strace s4  }
0x94: {  	s4 =	sld [smem:$0x3FFC];
	_ =	sdelay $0x3  }
0x95: {  	_ =	strace s4  }
0x96: {  	s4 =	sld [smem:$0x3FFD];
	_ =	sdelay $0x3  }
0x97: {  	_ =	strace s4  }
0x98: {  	_ =	strace $0x8FFFFFFF  }
0x99: {  	s19 =	sld [smem:$0x3FDB];
	_ =	sdelay $0x1  }
0x9a: {  	s5 =	simm.s32 $_scs_section_size  }
0x9b: {  	s6 =	simm.s32 $_size__tile_overlayer_lowered;
	s7 =	simm.s32 $_tile_overlayer_lowered  }
0x9c: {  	s22 =	simm.s32 $0x1BFF;
	s21 =	sshll.u32 s7, $0x1;
	s4 =	sadd.s32 s5, s19  }
0x9d: {  	s8 =	simm.s32 $0x0;
	s20 =	sshll.u32 s6, $0x1;
	s6 =	sadd.s32 s21, s4  }
0x9e: {  	[timem:s8], [sflag:s22] =	dma.local [hbm:s6], s20  }
0x9f: {  	_ =	swait.ge [sflag:s22], s20  }
0xa0: {  	s5 =	ssub.s32 $0x0, s20;
	[sflag:s22] =	ssyncset.done $0x0  }
0xa1: {  	[sflag:s22] =	ssyncadd.s32 s5;
	_ =	sdelay $0x1  }
0xa2: {  	s23 =	simm.s32 $0x1B8B  }
0xa3: {  	_ =	swait.ge [sflag:s23], $0x1  }
0xa4: {  	[sflag:s23] =	ssyncset.done $0x0  }
0xa5: {  	s25 =	simm.s32 $0x1B8E;
	s24 =	sld [smem:$0x3FFE];
	[sflag:s23] =	ssyncadd.s32 $0xFFFFFFFF  }
0xa6: {  	s26 =	simm.s32 $execute0_lowered;
	[smem:$0x3FD2] =	sst s25  }
0xa7: {  	s6 =	sshll.u32 s26, $0x1;
	_ =	strace $0x80000046;
	[dreg:$0x1] =	wrdreg $0xFFFFFFFF  }
0xa8: {  	s28 =	simm.s32 $_size_execute0_lowered;
	s4 =	sadd.s32 s4, s6;
	[dreg:$0x0] =	wrdreg $0x0  }
0xa9: {  	s6 =	sshll.u32 s28, $0x1;
	[dreg:$0x2] =	wrdreg s4  }
0xaa: {  	[dreg:$0x3] =	wrdreg s6  }
0xab: {  	[dreg:$0x4] =	wrdreg $0xC0  }
0xac: {  	_ =	task [dreg:s8], $0x5FFFF  }
0xad: {  	[dreg:$0x1] =	wrdreg $0xFFFFFFFF  }
0xae: {  	[dreg:$0x0] =	wrdreg $0x60  }
0xaf: {  	[dreg:$0x2] =	wrdreg s24  }
0xb0: {  	[dreg:$0x3] =	wrdreg s2  }
0xb1: {  	[dreg:$0x4] =	wrdreg s18  }
0xb2: {  	[dreg:$0x5] =	wrdreg $0x102000  }
0xb3: {  	[dreg:$0x6] =	wrdreg $0x9  }
0xb4: {  	_ =	task.clear_ibuf [dreg:s8], $0x7FFFF;
	_ =	strace $0x90000046  }
0xb5: {  	s29 =	simm.s32 $0x9;
	_ =	strace $0x80000048  }
0xb6: {  	_ =	swait.ge [sflag:s29], $0x1  }
0xb7: {  	[sflag:s29] =	ssyncadd.s32 $0xFFFFFFFF  }
0xb8: {  	_ =	strace $0x90000048  }
0xb9: {  	_ =	sfence  }
0xba: {  	s30 =	sld [smem:$0x0];
	_ =	sdelay $0x2  }
0xbb: {  	s31 =	sshll.u32 s1, $0xD;
	s1 =	sshrl.u32 s1, $0x2  }
0xbc: {  	s3 =	sand.u32 $0x4000, s31;
	s1 =	sadd.s32 s1, s30  }
0xbd: {  	s0 =	sor.u32 s3, s0;
	s1 =	sshll.u32 s1, $0x11  }
0xbe: {  	s0 =	sor.u32 s1, s0  }
0xbf: {  	s0 =	sadd.s32 $0x8F2B, s0  }
0xc0: {  	[sflag:s0] =	ssyncadd.remote.s32 $0x1  }
0xc1: {  	_ =	sfence.sel $0xFFFF  }
0xc2: {  	[dreg:$0x0] =	wrdreg $0xFFFFFFFF;
	(pc) =	sbr.abs _section_cstart, $3  }
0xc3: {  	[dreg:$0x1] =	wrdreg $0xFFFFFFFF  }
0xc4: {  	_ =	task.clear_ibuf [dreg:s8], $0x2FFFF;
	_ =	strace $0x9FFFFFFF  }
0xc5: {  	(tm) =	ssettm $0x7FFFFFFF  }
tec
execute0_lowered:
.L_overlay_start_1:
0x0: {  	(tag) =	ssettag $0x1  }
0x1: {  	s4 =	rddreg [dreg:$0x0]  }
0x2: {  	s5 =	rddreg [dreg:$0x1]  }
0x3: {  	s18 =	rddreg [dreg:$0x2]  }
0x4: {  	s2 =	rddreg [dreg:$0x3]  }
0x5: {  	s0 =	rddreg [dreg:$0x4];
	s6 =	srdreg.scid  }
0x6: {  	s3 =	simm.s32 $0x0;
	s1 =	stileid.u32;
	s26 =	sand.u32 $0x1, s6  }
0x7: {  	[smem:$0x7FF] =	sst s3;
	s28 =	sshll.u32 s1, $0xA;
	s8 =	sshll.u32 s1, $0x6  }
0x8: {  	s31 =	sshll.u32 s1, $0x9;
	s7 =	sshll.u32 s26, $0x9;
	_ =	strace $0x80000047  }
0x9: {  	s29 =	sadd.s32 s8, s4;
	s6 =	sor.u32 $0x1C02, s8;
	s19 =	sor.u32 s7, s28  }
0xa: {  	s8 =	simm.s32 $0x2;
	s7 =	sadd.s32 s31, s2;
	s30 =	sshrl.u32 s19, $0x3  }
0xb: {  	s7 =	sshrl.u32 s7, $0x3;
	s4 =	sadd.s32 s5, s30;
	s5 =	sadd.s32 $0x800, s29  }
0xc: {  	[tilespmem:s3], [sflag:$0x1] =	stream.linear.gather [hbm4b:s4+s3], $0x200, $0x38;
	[tilespmem:$0x10400] =	vst v63  }
0xd: {  	[spmem:s7], [sflag:s6] =	dma.local [hbm:s5], $0x40  }
0xe: {  	_ =	swait.ge [sflag:s8], $0x40  }
0xf: {  	[sflag:s8] =	ssyncset.done $0x0  }
0x10: {  	[sflag:s8] =	ssyncadd.s32 $0xFFFFFFC0  }
0x11: {  	s9 =	simm.s32 $0x1;
	[bflag:$0x0] =	sbarrier.arrive $0xFFFF  }
0x12: {  	_ =	swait.ge [sflag:s9], $0x200  }
0x13: {  	[sflag:s9] =	ssyncset.done $0x0  }
0x14: {  	s10 =	simm.s32 $0x80;
	s11 =	simm.s32 $0x200;
	[sflag:s9] =	ssyncadd.s32 $0xFFFFFE00  }
0x15: {  	[tilespmem:s11], [sflag:$0x3] =	stream.indirect.gather [spmem:s2], $0x80, s3, s10, $0xb8;
	[tilespmem:$0x10400] =	vst v63  }
0x16: {  	s12 =	simm.s32 $0x4200  }
0x17: {  	[tilespmem:s12], [sflag:$0x4] =	stream.indirect.gather [spmem:s2], $0x80, s10, s10, $0xb8;
	[tilespmem:$0x10400] =	vst v63  }
0x18: {  	s13 =	simm.s32 $0x100;
	s14 =	simm.s32 $0x8200  }
0x19: {  	[tilespmem:s14], [sflag:$0x5] =	stream.indirect.gather [spmem:s2], $0x80, s13, s10, $0xb8;
	[tilespmem:$0x10400] =	vst v63  }
0x1a: {  	s15 =	simm.s32 $0x180;
	s16 =	simm.s32 $0xC200;
	s17 =	simm.s32 $0x3  }
0x1b: {  	[tilespmem:s16], [sflag:$0x6] =	stream.indirect.gather [spmem:s2], $0x80, s15, s10, $0xb8;
	[tilespmem:$0x10400] =	vst v63  }
0x1c: {  	_ =	swait.ge [sflag:s17], $0x4000  }
0x1d: {  	s19 =	sshll.u32 s19, $0x4;
	[sflag:s17] =	ssyncset.done $0x0  }
0x1e: {  	s18 =	sadd.s32 s18, s19;
	s19 =	simm.s32 $0x4;
	[sflag:s17] =	ssyncadd.s32 $0xFFFFC000  }
0x1f: {  	[hbm4b:s18+s3] =	stream.linear.scatter [tilespmem:s11], [sflag:$0x7], $0x4000, $0x38;
	[tilespmem:$0x10400] =	vst v63  }
0x20: {  	_ =	swait.ge [sflag:s19], $0x4000  }
0x21: {  	[sflag:s19] =	ssyncset.done $0x0  }
0x22: {  	s21 =	simm.s32 $0x5;
	s20 =	sadd.s32 $0x800, s18;
	[sflag:s19] =	ssyncadd.s32 $0xFFFFC000  }
0x23: {  	[hbm4b:s20+s3] =	stream.linear.scatter [tilespmem:s12], [sflag:$0x7], $0x4000, $0x38;
	[tilespmem:$0x10400] =	vst v63  }
0x24: {  	_ =	swait.ge [sflag:s21], $0x4000  }
0x25: {  	[sflag:s21] =	ssyncset.done $0x0  }
0x26: {  	s23 =	simm.s32 $0x6;
	s22 =	sadd.s32 $0x1000, s18;
	[sflag:s21] =	ssyncadd.s32 $0xFFFFC000  }
0x27: {  	[hbm4b:s22+s3] =	stream.linear.scatter [tilespmem:s14], [sflag:$0x7], $0x4000, $0x38;
	[tilespmem:$0x10400] =	vst v63  }
0x28: {  	_ =	swait.ge [sflag:s23], $0x4000  }
0x29: {  	[sflag:s23] =	ssyncset.done $0x0  }
0x2a: {  	s25 =	simm.s32 $0x7;
	s24 =	sadd.s32 $0x1800, s18;
	[sflag:s23] =	ssyncadd.s32 $0xFFFFC000  }
0x2b: {  	[hbm4b:s24+s3] =	stream.linear.scatter [tilespmem:s16], [sflag:$0x7], $0x4000, $0x38;
	[tilespmem:$0x10400] =	vst v63  }
0x2c: {  	_ =	swait.ge [sflag:s25], $0x4000  }
0x2d: {  	s26 =	ssub.s32 $0x2, s26;
	[sflag:s25] =	ssyncset.done $0x0  }
0x2e: {  	s28 =	sshrl.u32 s26, $0x1;
	[sflag:s25] =	ssyncadd.s32 $0xFFFFC000  }
0x2f: {  	s26 =	ssub.s32 s26, s28;
	_ =	swait.ge [sflag:s25], $0x4000  }
0x30: {  	s26 =	smax.u32 s26, $0x1;
	[sflag:s25] =	ssyncset.done $0x0  }
0x31: {  	p0 =	sne.s32 s26, $0x1;
	[sflag:s25] =	ssyncadd.s32 $0xFFFFC000  }
.Ltmp0:
0x32: {  	_ =	swait.ge [sflag:s25], $0x4000;
	(pc) =	sbr.rel @!p0 .LBB2_2-.Ltmp0, $4  }
0x33: {  	[sflag:s25] =	ssyncset.done $0x0  }
0x34: {  	[sflag:s25] =	ssyncadd.s32 $0xFFFFC000  }
0x35: {  	_ =	swait.ge [sflag:s25], $0x4000  }
0x36: {  	s26 =	sadd.s32 $0xFFFFFFFF, s26;
	[sflag:s25] =	ssyncset.done $0x0  }
.LBB2_1:
0x37: {  	p0 =	sne.s32 s26, $0x1;
	s26 =	sadd.s32 $0xFFFFFFFF, s26;
	[sflag:s25] =	ssyncadd.s32 $0xFFFFC000  }
0x38: {  	[tilespmem:s3], [sflag:$0x1] =	stream.linear.gather [hbm4b:s4+s3], $0x200, $0x38;
	[tilespmem:$0x10400] =	vst v63  }
0x39: {  	[spmem:s7], [sflag:s6] =	dma.local [hbm:s5], $0x40  }
0x3a: {  	_ =	swait.ge [sflag:s8], $0x40  }
0x3b: {  	[sflag:s8] =	ssyncset.done $0x0  }
0x3c: {  	[sflag:s8] =	ssyncadd.s32 $0xFFFFFFC0  }
0x3d: {  	[bflag:$0x0] =	sbarrier.arrive $0xFFFF  }
0x3e: {  	_ =	swait.ge [sflag:s9], $0x200  }
0x3f: {  	[sflag:s9] =	ssyncset.done $0x0  }
0x40: {  	[sflag:s9] =	ssyncadd.s32 $0xFFFFFE00  }
0x41: {  	[tilespmem:s11], [sflag:$0x3] =	stream.indirect.gather [spmem:s2], $0x80, s3, s10, $0xb8;
	[tilespmem:$0x10400] =	vst v63  }
0x42: {  	_ = 	snop  }
0x43: {  	[tilespmem:s12], [sflag:$0x4] =	stream.indirect.gather [spmem:s2], $0x80, s10, s10, $0xb8;
	[tilespmem:$0x10400] =	vst v63  }
0x44: {  	_ = 	snop  }
0x45: {  	[tilespmem:s14], [sflag:$0x5] =	stream.indirect.gather [spmem:s2], $0x80, s13, s10, $0xb8;
	[tilespmem:$0x10400] =	vst v63  }
0x46: {  	_ = 	snop  }
0x47: {  	[tilespmem:s16], [sflag:$0x6] =	stream.indirect.gather [spmem:s2], $0x80, s15, s10, $0xb8;
	[tilespmem:$0x10400] =	vst v63  }
0x48: {  	_ =	swait.ge [sflag:s17], $0x4000  }
0x49: {  	[sflag:s17] =	ssyncset.done $0x0  }
0x4a: {  	[sflag:s17] =	ssyncadd.s32 $0xFFFFC000  }
0x4b: {  	[hbm4b:s18+s3] =	stream.linear.scatter [tilespmem:s11], [sflag:$0x7], $0x4000, $0x38;
	[tilespmem:$0x10400] =	vst v63  }
0x4c: {  	_ =	swait.ge [sflag:s19], $0x4000  }
0x4d: {  	[sflag:s19] =	ssyncset.done $0x0  }
0x4e: {  	[sflag:s19] =	ssyncadd.s32 $0xFFFFC000  }
0x4f: {  	[hbm4b:s20+s3] =	stream.linear.scatter [tilespmem:s12], [sflag:$0x7], $0x4000, $0x38;
	[tilespmem:$0x10400] =	vst v63  }
0x50: {  	_ =	swait.ge [sflag:s21], $0x4000  }
0x51: {  	[sflag:s21] =	ssyncset.done $0x0  }
0x52: {  	[sflag:s21] =	ssyncadd.s32 $0xFFFFC000  }
0x53: {  	[hbm4b:s22+s3] =	stream.linear.scatter [tilespmem:s14], [sflag:$0x7], $0x4000, $0x38;
	[tilespmem:$0x10400] =	vst v63  }
0x54: {  	_ =	swait.ge [sflag:s23], $0x4000  }
0x55: {  	[sflag:s23] =	ssyncset.done $0x0  }
0x56: {  	[sflag:s23] =	ssyncadd.s32 $0xFFFFC000  }
0x57: {  	[hbm4b:s24+s3] =	stream.linear.scatter [tilespmem:s16], [sflag:$0x7], $0x4000, $0x38;
	[tilespmem:$0x10400] =	vst v63  }
0x58: {  	_ =	swait.ge [sflag:s25], $0x4000  }
0x59: {  	[sflag:s25] =	ssyncset.done $0x0  }
0x5a: {  	[sflag:s25] =	ssyncadd.s32 $0xFFFFC000  }
0x5b: {  	_ =	swait.ge [sflag:s25], $0x4000  }
0x5c: {  	[sflag:s25] =	ssyncset.done $0x0  }
0x5d: {  	[sflag:s25] =	ssyncadd.s32 $0xFFFFC000  }
.Ltmp1:
0x5e: {  	_ =	swait.ge [sflag:s25], $0x4000;
	(pc) =	sbr.rel @p0 .LBB2_1-.Ltmp1, $4  }
0x5f: {  	[sflag:s25] =	ssyncset.done $0x0  }
0x60: {  	[sflag:s25] =	ssyncadd.s32 $0xFFFFC000  }
0x61: {  	_ =	swait.ge [sflag:s25], $0x4000  }
0x62: {  	[sflag:s25] =	ssyncset.done $0x0  }
.LBB2_2:
0x63: {  	[sflag:s25] =	ssyncadd.s32 $0xFFFFC000  }
0x64: {  	_ =	sfence.sel $0x180000  }
0x65: {  	[bflag:$0x0] =	sbarrier.arrive $0xFFFF  }
0x66: {  	p0 =	sne.s32 s1, $0x0;
	_ =	strace $0x90000047  }
0x67: {  	s0 =	sadd.s32 @!p0 $0x100000, s0;
	[bflag:$0x2] =	sbarrier.arrive $0xFFFF  }
0x68: {  	[sflag:s0] =	ssyncadd.tile.s32 @!p0 $0x1;
	_ =	shalt  }
.Lfunc_end2:
_tile_overlayer_lowered:
.L_overlay_start_2:
0x69: {  	(tag) =	ssettag $0x2  }
0x6a: {  	s0 =	rddreg [dreg:$0x0];
	s2 =	stileid.u32  }
0x6b: {  	s1 =	rddreg [dreg:$0x1];
	p0 =	sne.s32 s2, $0x0  }
0x6c: {  	s3 =	rddreg [dreg:$0x2];
	[bflag:$0x3] =	sbarrier.arrive $0xFFFF;
	s2 =	simm.s32 @!p0 $0x1C08  }
0x6d: {  	[timem:s3], [sflag:s2] =	dma.local @!p0 [hbm:s0], s1  }
0x6e: {  	s0 =	simm.s32 @!p0 $0x8  }
0x6f: {  	_ =	swait.ge @!p0 [sflag:s0], s1  }
0x70: {  	s1 =	ssub.s32 @!p0 $0x0, s1;
	[sflag:s0] =	ssyncset.done @!p0 $0x0  }
0x71: {  	[sflag:s0] =	ssyncadd.s32 @!p0 s1  }
0x72: {  	[bflag:$0x3] =	sbarrier.arrive $0xFFFF  }
0x73: {  	_ =	shalt  }

</sc_bundles>
